<compile_context>
chip_gen: v7x
topology: tpu7x:2x2x1
jax: 0.10.2.dev20260603
libtpu: 0.0.44.dev20260713+nightly
codegen_flags: <defaults>
</compile_context>

<pallas_src>
import functools

import jax
import jax.numpy as jnp
import numpy as np
from jax import lax
from jax.experimental import pallas as pl
from jax.experimental.pallas import tpu as pltpu
from jax.experimental.pallas import tpu_sc as plsc

_VOCAB = 100000
_EMBED = 128
_DMODEL = 768
_MAXLEN = 2048
_EPS = 1e-5
_BLK = 2048


def _sinusoidal_pe_np(max_len, d):
    pos = np.arange(max_len, dtype=np.float32)[:, None]
    div = np.exp(np.arange(0, d, 2, dtype=np.float32) * (-np.log(10000.0) / d))
    pe = np.zeros((max_len, d), dtype=np.float32)
    pe[:, 0::2] = np.sin(pos * div)
    pe[:, 1::2] = np.cos(pos * div)
    return pe



def _sc_gather(token_table, idx_2d, n_rows):
    info = plsc.get_sparse_core_info()
    nc, ns = info.num_cores, info.num_subcores
    nw = nc * ns
    rows_per_w = n_rows // nw
    sub = rows_per_w // 128

    mesh = plsc.VectorSubcoreMesh(core_axis_name="c", subcore_axis_name="s")

    @functools.partial(
        pl.kernel,
        mesh=mesh,
        out_type=jax.ShapeDtypeStruct((n_rows, _EMBED), jnp.float32),
        scratch_types=[
            pltpu.VMEM((sub, 128), jnp.int32),
            pltpu.VMEM((rows_per_w, _EMBED), jnp.float32),
            pltpu.SemaphoreType.DMA,
        ],
    )
    def gather_kernel(table_hbm, idx_hbm, out_hbm, idx_v, rows_v, sem):
        wid = lax.axis_index("s") * nc + lax.axis_index("c")
        pltpu.sync_copy(idx_hbm.at[pl.ds(wid * sub, sub)], idx_v)
        copies = [
            pltpu.async_copy(table_hbm.at[idx_v.at[j]],
                             rows_v.at[pl.ds(j * 128, 128)], sem)
            for j in range(sub)
        ]
        for c in copies:
            c.wait()
        pltpu.sync_copy(rows_v, out_hbm.at[pl.ds(wid * rows_per_w, rows_per_w)])

    return gather_kernel(token_table, idx_2d)



def _tc_body(s_len, g_ref, pe_ref, seg_ref, segtab_ref, w_ref, bgb_ref, out_ref):
    pe = pe_ref[...]
    if _BLK > s_len:
        pe = jnp.concatenate([pe] * (_BLK // s_len), axis=0)
    x = g_ref[...] + pe
    seg = seg_ref[...].astype(jnp.int32)
    for r in range(3):
        mask = jnp.where(seg == r, 1.0, 0.0)
        x = x + mask * segtab_ref[r, :][None, :]
    y = jnp.dot(x, w_ref[...], preferred_element_type=jnp.float32)
    y = y + bgb_ref[0, :][None, :]
    mu = jnp.mean(y, axis=-1, keepdims=True)
    d = y - mu
    var = jnp.mean(d * d, axis=-1, keepdims=True)
    yn = d * lax.rsqrt(var + _EPS)
    out_ref[...] = yn * bgb_ref[1, :][None, :] + bgb_ref[2, :][None, :]


def _tc_fused(g, pe, seg_col, segtab, W, bgb, n_rows, s_len):
    return pl.pallas_call(
        functools.partial(_tc_body, s_len),
        grid=(n_rows // _BLK,),
        in_specs=[
            pl.BlockSpec((_BLK, _EMBED), lambda j: (j, 0)),
            pl.BlockSpec((s_len, _EMBED), lambda j: (0, 0)),
            pl.BlockSpec((_BLK, 1), lambda j: (j, 0)),
            pl.BlockSpec((8, _EMBED), lambda j: (0, 0)),
            pl.BlockSpec((_EMBED, _DMODEL), lambda j: (0, 0)),
            pl.BlockSpec((3, _DMODEL), lambda j: (0, 0)),
        ],
        out_specs=pl.BlockSpec((_BLK, _DMODEL), lambda j: (j, 0)),
        out_shape=jax.ShapeDtypeStruct((n_rows, _DMODEL), jnp.float32),
    )(g, pe, seg_col, segtab, W, bgb)


def kernel(sequence, sequence_segment, token_table, seg_table, W, b, gamma, beta):
    bsz, s_len = sequence.shape
    n_rows = bsz * s_len

    idx = jnp.reshape(sequence.astype(jnp.int32), (n_rows // 128, 128))
    g = _sc_gather(token_table, idx, n_rows)

    pe = jnp.asarray(_sinusoidal_pe_np(_MAXLEN, _EMBED)[:s_len])
    bgb = jnp.stack([b, gamma, beta])
    segtab_pad = jnp.zeros((8, _EMBED), jnp.float32).at[:3].set(seg_table)
    seg_col = jnp.reshape(sequence_segment.astype(jnp.int8), (n_rows, 1))

    out = _tc_fused(g, pe, seg_col, segtab_pad, W, bgb, n_rows, s_len)
    return jnp.reshape(out, (bsz, s_len, _DMODEL))

# --- scband reference (transcript-rebuilt; emitter-appended) ---
"""Pipeline reference for scband-transformer-embedding-71468255806084 (READ-ONLY COPY).

The authoritative reference and input builder live on the scoring server;
editing this copy changes nothing except your own understanding.
"""

import jax, jax.numpy as jnp
import numpy as np

VOCAB = 100000
EMBED = 128
DMODEL = 768
MAXLEN = 2048
B = 4
S = 2048
EPS = 1e-5


def _sinusoidal_pe(max_len, d):
    pos = np.arange(max_len, dtype=np.float32)[:, None]
    div = np.exp(np.arange(0, d, 2, dtype=np.float32) * (-np.log(10000.0) / d))
    pe = np.zeros((max_len, d), dtype=np.float32)
    pe[:, 0::2] = np.sin(pos * div)
    pe[:, 1::2] = np.cos(pos * div)
    return jnp.asarray(pe)


def setup_inputs(seed: int = 0) -> dict:
    key = jax.random.key(seed)
    k1, k2, k3, k4, k5 = jax.random.split(key, 5)
    sequence = jax.random.randint(k1, (B, S), 0, VOCAB, dtype=jnp.int64 if jax.config.jax_enable_x64 else jnp.int32).astype(jnp.int32)
    sequence_segment = jax.random.randint(k2, (B, S), 0, 3).astype(jnp.int32)
    token_table = jax.random.normal(k3, (VOCAB, EMBED), dtype=jnp.float32) * 0.02
    token_table = token_table.at[0].set(0.0)  # padding_idx row
    seg_table = jax.random.normal(k4, (3, EMBED), dtype=jnp.float32) * 0.02
    seg_table = seg_table.at[0].set(0.0)  # padding_idx row
    W = jax.random.normal(k5, (EMBED, DMODEL), dtype=jnp.float32) * 0.02
    b = jnp.zeros((DMODEL,), dtype=jnp.float32)
    gamma = jnp.ones((DMODEL,), dtype=jnp.float32)
    beta = jnp.zeros((DMODEL,), dtype=jnp.float32)
    return {
        "sequence": sequence,
        "sequence_segment": sequence_segment,
        "token_table": token_table,
        "seg_table": seg_table,
        "W": W,
        "b": b,
        "gamma": gamma,
        "beta": beta,
    }


def reference(sequence, sequence_segment, token_table, seg_table, W, b, gamma, beta):
    seq_len = sequence.shape[1]
    # TokenEmbedding (gather, padding_idx=0)
    x = jnp.take(token_table, sequence, axis=0)
    # PositionalEmbedding (non-learned sin/cos buffer)
    pe = _sinusoidal_pe(MAXLEN, EMBED)[:seq_len][None, :, :]
    # SegmentEmbedding (gather, padding_idx=0)
    seg = jnp.take(seg_table, sequence_segment, axis=0)
    x = x + pe + seg  # dropout p=0.0 -> identity
    # Linear
    y = jnp.dot(x, W) + b
    # LayerNorm
    mu = jnp.mean(y, axis=-1, keepdims=True)
    var = jnp.mean((y - mu) ** 2, axis=-1, keepdims=True)
    yn = (y - mu) / jnp.sqrt(var + EPS)
    return yn * gamma + beta

if __name__ == "__main__":
    import jax
    _d = setup_inputs()
    print(jax.jit(kernel)(*tuple(_d.values())))

</pallas_src>

<mosaic_0001>
#map = affine_map<(d0, d1) -> (0, 0)>
module attributes {stable_mosaic.version = 14 : i64} {
  func.func @gather_kernel(%arg0: i32, %arg1: i32, %arg2: memref<100000x128xf32, #tpu.memory_space<hbm>>, %arg3: memref<64x128xi32, #tpu.memory_space<hbm>>, %arg4: memref<8192x128xf32, #tpu.memory_space<hbm>>, %arg5: memref<2x128xi32, #tpu.memory_space<vmem>>, %arg6: memref<256x128xf32, #tpu.memory_space<vmem>>, %arg7: memref<!tpu.dma_semaphore, #tpu.memory_space<semaphore_mem>>) attributes {dimension_semantics = [#tpu.dimension_semantics<core_parallel>, #tpu.dimension_semantics<subcore_parallel>], iteration_bounds = array<i64: 2, 16>, scalar_prefetch = 0 : i64, scratch_operands = 3 : i64, tpu.core_type = #tpu.core_type<sc_vector_subcore>, window_params = [{transform_indices = #map}, {transform_indices = #map}, {transform_indices = #map}]} {
    %mul3A = arith.constant 2 : i32
    %mul3A_0 = arith.muli %arg1, %mul3A : i32
    %add3A = arith.addi %mul3A_0, %arg0 : i32
    %mul3A_1 = arith.constant 2 : i32
    %mul3A_2 = arith.muli %add3A, %mul3A_1 : i32
    "tpu.region"() ({
      %run_scoped3A = tpu.sem_alloc : memref<!tpu.dma_semaphore, #tpu.memory_space<semaphore_mem>>
      %dma_start3A_43 = arith.constant 0 : i32
      %dma_start3A_44 = tpu.memref_slice %arg3[%mul3A_2, %dma_start3A_43] : memref<64x128xi32, #tpu.memory_space<hbm>> -> memref<2x128xi32, #tpu.memory_space<hbm>>
      %dma_start3A_45 = arith.constant 0 : i32
      %dma_start3A_46 = tpu.memref_slice %arg3[%mul3A_2, %dma_start3A_45] : memref<64x128xi32, #tpu.memory_space<hbm>> -> memref<2x128xi32, #tpu.memory_space<hbm>>
      tpu.enqueue_dma source(%dma_start3A_46 : memref<2x128xi32, #tpu.memory_space<hbm>>) target(%arg5 : memref<2x128xi32, #tpu.memory_space<vmem>>) target_semaphore(%run_scoped3A : memref<!tpu.dma_semaphore, #tpu.memory_space<semaphore_mem>>)
      %dma_wait3A_47 = arith.constant 0 : i32
      %dma_wait3A_48 = tpu.memref_slice %arg3[%mul3A_2, %dma_wait3A_47] : memref<64x128xi32, #tpu.memory_space<hbm>> -> memref<2x128xi32, #tpu.memory_space<hbm>>
      %dma_wait3A_49 = arith.constant 0 : i32
      %dma_wait3A_50 = tpu.memref_slice %arg3[%mul3A_2, %dma_wait3A_49] : memref<64x128xi32, #tpu.memory_space<hbm>> -> memref<2x128xi32, #tpu.memory_space<hbm>>
      tpu.wait_dma2 semaphore(%run_scoped3A : memref<!tpu.dma_semaphore, #tpu.memory_space<semaphore_mem>>) src(%dma_wait3A_50 : memref<2x128xi32, #tpu.memory_space<hbm>>) dst(%arg5 : memref<2x128xi32, #tpu.memory_space<vmem>>)
      tpu.yield
    }) : () -> ()
    %dma_start3A = arith.constant 0 : i32
    %dma_start3A_3 = arith.constant 0 : i32
    %dma_start3A_4 = arith.constant 0 : i32
    %dma_start3A_5 = tpu.memref_slice %arg6[%dma_start3A_3, %dma_start3A_4] : memref<256x128xf32, #tpu.memory_space<vmem>> -> memref<128x128xf32, #tpu.memory_space<vmem>>
    %dma_start3A_6 = arith.constant 0 : i32
    %dma_start3A_7 = tpu.memref_slice %arg5[%dma_start3A, %dma_start3A_6] : memref<2x128xi32, #tpu.memory_space<vmem>> -> memref<1x128xi32, #tpu.memory_space<vmem>>
    %dma_start3A_8 = tpu.memref_squeeze %dma_start3A_7 : memref<1x128xi32, #tpu.memory_space<vmem>> -> memref<128xi32, #tpu.memory_space<vmem>>
    %dma_start3A_9 = arith.constant 0 : i32
    %dma_start3A_10 = arith.constant 0 : i32
    %dma_start3A_11 = tpu.memref_slice %arg2[%dma_start3A_9, %dma_start3A_10] : memref<100000x128xf32, #tpu.memory_space<hbm>> -> memref<100000x128xf32, #tpu.memory_space<hbm>>
    tpu.enqueue_indirect_dma source(%dma_start3A_11 : memref<100000x128xf32, #tpu.memory_space<hbm>>) target(%dma_start3A_5 : memref<128x128xf32, #tpu.memory_space<vmem>>) offsets(%dma_start3A_8 : memref<128xi32, #tpu.memory_space<vmem>>) semaphore(%arg7 : memref<!tpu.dma_semaphore, #tpu.memory_space<semaphore_mem>>)
    %dma_start3A_12 = arith.constant 1 : i32
    %dma_start3A_13 = arith.constant 128 : i32
    %dma_start3A_14 = arith.constant 0 : i32
    %dma_start3A_15 = tpu.memref_slice %arg6[%dma_start3A_13, %dma_start3A_14] : memref<256x128xf32, #tpu.memory_space<vmem>> -> memref<128x128xf32, #tpu.memory_space<vmem>>
    %dma_start3A_16 = arith.constant 0 : i32
    %dma_start3A_17 = tpu.memref_slice %arg5[%dma_start3A_12, %dma_start3A_16] : memref<2x128xi32, #tpu.memory_space<vmem>> -> memref<1x128xi32, #tpu.memory_space<vmem>>
    %dma_start3A_18 = tpu.memref_squeeze %dma_start3A_17 : memref<1x128xi32, #tpu.memory_space<vmem>> -> memref<128xi32, #tpu.memory_space<vmem>>
    %dma_start3A_19 = arith.constant 0 : i32
    %dma_start3A_20 = arith.constant 0 : i32
    %dma_start3A_21 = tpu.memref_slice %arg2[%dma_start3A_19, %dma_start3A_20] : memref<100000x128xf32, #tpu.memory_space<hbm>> -> memref<100000x128xf32, #tpu.memory_space<hbm>>
    tpu.enqueue_indirect_dma source(%dma_start3A_21 : memref<100000x128xf32, #tpu.memory_space<hbm>>) target(%dma_start3A_15 : memref<128x128xf32, #tpu.memory_space<vmem>>) offsets(%dma_start3A_18 : memref<128xi32, #tpu.memory_space<vmem>>) semaphore(%arg7 : memref<!tpu.dma_semaphore, #tpu.memory_space<semaphore_mem>>)
    %dma_wait3A = arith.constant 0 : i32
    %dma_wait3A_22 = arith.constant 0 : i32
    %dma_wait3A_23 = arith.constant 0 : i32
    %dma_wait3A_24 = tpu.memref_slice %arg6[%dma_wait3A_22, %dma_wait3A_23] : memref<256x128xf32, #tpu.memory_space<vmem>> -> memref<128x128xf32, #tpu.memory_space<vmem>>
    %dma_wait3A_25 = arith.constant 0 : i32
    %dma_wait3A_26 = tpu.memref_slice %arg5[%dma_wait3A, %dma_wait3A_25] : memref<2x128xi32, #tpu.memory_space<vmem>> -> memref<1x128xi32, #tpu.memory_space<vmem>>
    %dma_wait3A_27 = tpu.memref_squeeze %dma_wait3A_26 : memref<1x128xi32, #tpu.memory_space<vmem>> -> memref<128xi32, #tpu.memory_space<vmem>>
    %dma_wait3A_28 = arith.constant 0 : i32
    %dma_wait3A_29 = arith.constant 0 : i32
    %dma_wait3A_30 = tpu.memref_slice %arg2[%dma_wait3A_28, %dma_wait3A_29] : memref<100000x128xf32, #tpu.memory_space<hbm>> -> memref<100000x128xf32, #tpu.memory_space<hbm>>
    tpu.wait_indirect_dma semaphore(%arg7 : memref<!tpu.dma_semaphore, #tpu.memory_space<semaphore_mem>>) src(%dma_wait3A_30 : memref<100000x128xf32, #tpu.memory_space<hbm>>) dst(%dma_wait3A_24 : memref<128x128xf32, #tpu.memory_space<vmem>>)
    %dma_wait3A_31 = arith.constant 1 : i32
    %dma_wait3A_32 = arith.constant 128 : i32
    %dma_wait3A_33 = arith.constant 0 : i32
    %dma_wait3A_34 = tpu.memref_slice %arg6[%dma_wait3A_32, %dma_wait3A_33] : memref<256x128xf32, #tpu.memory_space<vmem>> -> memref<128x128xf32, #tpu.memory_space<vmem>>
    %dma_wait3A_35 = arith.constant 0 : i32
    %dma_wait3A_36 = tpu.memref_slice %arg5[%dma_wait3A_31, %dma_wait3A_35] : memref<2x128xi32, #tpu.memory_space<vmem>> -> memref<1x128xi32, #tpu.memory_space<vmem>>
    %dma_wait3A_37 = tpu.memref_squeeze %dma_wait3A_36 : memref<1x128xi32, #tpu.memory_space<vmem>> -> memref<128xi32, #tpu.memory_space<vmem>>
    %dma_wait3A_38 = arith.constant 0 : i32
    %dma_wait3A_39 = arith.constant 0 : i32
    %dma_wait3A_40 = tpu.memref_slice %arg2[%dma_wait3A_38, %dma_wait3A_39] : memref<100000x128xf32, #tpu.memory_space<hbm>> -> memref<100000x128xf32, #tpu.memory_space<hbm>>
    tpu.wait_indirect_dma semaphore(%arg7 : memref<!tpu.dma_semaphore, #tpu.memory_space<semaphore_mem>>) src(%dma_wait3A_40 : memref<100000x128xf32, #tpu.memory_space<hbm>>) dst(%dma_wait3A_34 : memref<128x128xf32, #tpu.memory_space<vmem>>)
    %mul3A_41 = arith.constant 256 : i32
    %mul3A_42 = arith.muli %add3A, %mul3A_41 : i32
    "tpu.region"() ({
      %run_scoped3A = tpu.sem_alloc : memref<!tpu.dma_semaphore, #tpu.memory_space<semaphore_mem>>
      %dma_start3A_43 = arith.constant 0 : i32
      %dma_start3A_44 = tpu.memref_slice %arg4[%mul3A_42, %dma_start3A_43] : memref<8192x128xf32, #tpu.memory_space<hbm>> -> memref<256x128xf32, #tpu.memory_space<hbm>>
      %dma_start3A_45 = arith.constant 0 : i32
      %dma_start3A_46 = tpu.memref_slice %arg4[%mul3A_42, %dma_start3A_45] : memref<8192x128xf32, #tpu.memory_space<hbm>> -> memref<256x128xf32, #tpu.memory_space<hbm>>
      tpu.enqueue_dma source(%arg6 : memref<256x128xf32, #tpu.memory_space<vmem>>) target(%dma_start3A_46 : memref<256x128xf32, #tpu.memory_space<hbm>>) target_semaphore(%run_scoped3A : memref<!tpu.dma_semaphore, #tpu.memory_space<semaphore_mem>>)
      %dma_wait3A_47 = arith.constant 0 : i32
      %dma_wait3A_48 = tpu.memref_slice %arg4[%mul3A_42, %dma_wait3A_47] : memref<8192x128xf32, #tpu.memory_space<hbm>> -> memref<256x128xf32, #tpu.memory_space<hbm>>
      %dma_wait3A_49 = arith.constant 0 : i32
      %dma_wait3A_50 = tpu.memref_slice %arg4[%mul3A_42, %dma_wait3A_49] : memref<8192x128xf32, #tpu.memory_space<hbm>> -> memref<256x128xf32, #tpu.memory_space<hbm>>
      tpu.wait_dma2 semaphore(%run_scoped3A : memref<!tpu.dma_semaphore, #tpu.memory_space<semaphore_mem>>) src(%arg6 : memref<256x128xf32, #tpu.memory_space<vmem>>) dst(%dma_wait3A_50 : memref<256x128xf32, #tpu.memory_space<hbm>>)
      tpu.yield
    }) : () -> ()
    return
  }
}

module attributes {stable_mosaic.version = 14 : i64} {
  func.func @_tc_body(%arg0: i32, %arg1: memref<2048x128xf32, #tpu.memory_space<vmem>>, %arg2: memref<2048x128xf32, #tpu.memory_space<vmem>>, %arg3: memref<2048x1xi8, #tpu.memory_space<vmem>>, %arg4: memref<8x128xf32, #tpu.memory_space<vmem>>, %arg5: memref<128x768xf32, #tpu.memory_space<vmem>>, %arg6: memref<3x768xf32, #tpu.memory_space<vmem>>, %arg7: memref<2048x768xf32, #tpu.memory_space<vmem>>) attributes {dimension_semantics = [#tpu.dimension_semantics<arbitrary>], iteration_bounds = array<i64: 4>, scalar_prefetch = 0 : i64, scratch_operands = 0 : i64, tpu.core_type = #tpu.core_type<tc>, window_params = [{transform_indices = @transform_0, window_bounds = array<i64: 2048, 128>}, {pipeline_mode = #tpu.pipeline_mode<synchronous>, transform_indices = @transform_1, window_bounds = array<i64: 2048, 128>}, {transform_indices = @transform_2, window_bounds = array<i64: 2048, 1>}, {pipeline_mode = #tpu.pipeline_mode<synchronous>, transform_indices = @transform_3, window_bounds = array<i64: 8, 128>}, {pipeline_mode = #tpu.pipeline_mode<synchronous>, transform_indices = @transform_4, window_bounds = array<i64: 128, 768>}, {pipeline_mode = #tpu.pipeline_mode<synchronous>, transform_indices = @transform_5, window_bounds = array<i64: 3, 768>}, {transform_indices = @transform_6, window_bounds = array<i64: 2048, 768>}]} {
    %get3A = arith.constant 0 : index
    %get3A_0 = arith.constant 0 : index
    %get3A_1 = vector.load %arg2[%get3A, %get3A_0] : memref<2048x128xf32, #tpu.memory_space<vmem>>, vector<2048x128xf32>
    %get3A_2 = arith.constant 0 : index
    %get3A_3 = arith.constant 0 : index
    %get3A_4 = vector.load %arg1[%get3A_2, %get3A_3] : memref<2048x128xf32, #tpu.memory_space<vmem>>, vector<2048x128xf32>
    %add3A = arith.addf %get3A_4, %get3A_1 : vector<2048x128xf32>
    %get3A_5 = arith.constant 0 : index
    %get3A_6 = arith.constant 0 : index
    %get3A_7 = vector.load %arg3[%get3A_5, %get3A_6] : memref<2048x1xi8, #tpu.memory_space<vmem>>, vector<2048x1xi8>
    %convert_element_type3A = arith.extsi %get3A_7 : vector<2048x1xi8> to vector<2048x1xi32>
    %eq3A = arith.constant 0 : i32
    %eq3A_8 = vector.broadcast %eq3A : i32 to vector<2048x1xi32>
    %eq3A_9 = arith.cmpi eq, %convert_element_type3A, %eq3A_8 : vector<2048x1xi32>
    %jit3A = arith.constant 1.000000e+00 : f32
    %jit3A_10 = arith.constant 0.000000e+00 : f32
    %broadcast_in_dim3A = vector.broadcast %jit3A : f32 to vector<2048x1xf32>
    %broadcast_in_dim3A_11 = vector.broadcast %jit3A_10 : f32 to vector<2048x1xf32>
    %select_n3A = arith.select %eq3A_9, %broadcast_in_dim3A, %broadcast_in_dim3A_11 : vector<2048x1xi1>, vector<2048x1xf32>
    %get3A_12 = arith.constant 0 : index
    %get3A_13 = arith.constant 0 : index
    %get3A_14 = vector.load %arg4[%get3A_12, %get3A_13] : memref<8x128xf32, #tpu.memory_space<vmem>>, vector<1x128xf32>
    %get3A_15 = vector.shape_cast %get3A_14 : vector<1x128xf32> to vector<128xf32>
    %broadcast_in_dim3A_16 = vector.shape_cast %get3A_15 : vector<128xf32> to vector<1x128xf32>
    %mul3A = vector.broadcast %select_n3A : vector<2048x1xf32> to vector<2048x128xf32>
    %mul3A_17 = vector.broadcast %broadcast_in_dim3A_16 : vector<1x128xf32> to vector<2048x128xf32>
    %mul3A_18 = arith.mulf %mul3A, %mul3A_17 : vector<2048x128xf32>
    %add3A_19 = arith.addf %add3A, %mul3A_18 : vector<2048x128xf32>
    %eq3A_20 = arith.constant 1 : i32
    %eq3A_21 = vector.broadcast %eq3A_20 : i32 to vector<2048x1xi32>
    %eq3A_22 = arith.cmpi eq, %convert_element_type3A, %eq3A_21 : vector<2048x1xi32>
    %jit3A_23 = arith.constant 1.000000e+00 : f32
    %jit3A_24 = arith.constant 0.000000e+00 : f32
    %broadcast_in_dim3A_25 = vector.broadcast %jit3A_23 : f32 to vector<2048x1xf32>
    %broadcast_in_dim3A_26 = vector.broadcast %jit3A_24 : f32 to vector<2048x1xf32>
    %select_n3A_27 = arith.select %eq3A_22, %broadcast_in_dim3A_25, %broadcast_in_dim3A_26 : vector<2048x1xi1>, vector<2048x1xf32>
    %get3A_28 = arith.constant 1 : index
    %get3A_29 = arith.constant 0 : index
    %get3A_30 = vector.load %arg4[%get3A_28, %get3A_29] : memref<8x128xf32, #tpu.memory_space<vmem>>, vector<1x128xf32>
    %get3A_31 = vector.shape_cast %get3A_30 : vector<1x128xf32> to vector<128xf32>
    %broadcast_in_dim3A_32 = vector.shape_cast %get3A_31 : vector<128xf32> to vector<1x128xf32>
    %mul3A_33 = vector.broadcast %select_n3A_27 : vector<2048x1xf32> to vector<2048x128xf32>
    %mul3A_34 = vector.broadcast %broadcast_in_dim3A_32 : vector<1x128xf32> to vector<2048x128xf32>
    %mul3A_35 = arith.mulf %mul3A_33, %mul3A_34 : vector<2048x128xf32>
    %add3A_36 = arith.addf %add3A_19, %mul3A_35 : vector<2048x128xf32>
    %eq3A_37 = arith.constant 2 : i32
    %eq3A_38 = vector.broadcast %eq3A_37 : i32 to vector<2048x1xi32>
    %eq3A_39 = arith.cmpi eq, %convert_element_type3A, %eq3A_38 : vector<2048x1xi32>
    %jit3A_40 = arith.constant 1.000000e+00 : f32
    %jit3A_41 = arith.constant 0.000000e+00 : f32
    %broadcast_in_dim3A_42 = vector.broadcast %jit3A_40 : f32 to vector<2048x1xf32>
    %broadcast_in_dim3A_43 = vector.broadcast %jit3A_41 : f32 to vector<2048x1xf32>
    %select_n3A_44 = arith.select %eq3A_39, %broadcast_in_dim3A_42, %broadcast_in_dim3A_43 : vector<2048x1xi1>, vector<2048x1xf32>
    %get3A_45 = arith.constant 2 : index
    %get3A_46 = arith.constant 0 : index
    %get3A_47 = vector.load %arg4[%get3A_45, %get3A_46] : memref<8x128xf32, #tpu.memory_space<vmem>>, vector<1x128xf32>
    %get3A_48 = vector.shape_cast %get3A_47 : vector<1x128xf32> to vector<128xf32>
    %broadcast_in_dim3A_49 = vector.shape_cast %get3A_48 : vector<128xf32> to vector<1x128xf32>
    %mul3A_50 = vector.broadcast %select_n3A_44 : vector<2048x1xf32> to vector<2048x128xf32>
    %mul3A_51 = vector.broadcast %broadcast_in_dim3A_49 : vector<1x128xf32> to vector<2048x128xf32>
    %mul3A_52 = arith.mulf %mul3A_50, %mul3A_51 : vector<2048x128xf32>
    %add3A_53 = arith.addf %add3A_36, %mul3A_52 : vector<2048x128xf32>
    %get3A_54 = arith.constant 0 : index
    %get3A_55 = arith.constant 0 : index
    %get3A_56 = vector.load %arg5[%get3A_54, %get3A_55] : memref<128x768xf32, #tpu.memory_space<vmem>>, vector<128x768xf32>
    %dot_general3A = arith.constant dense<0.000000e+00> : vector<2048x768xf32>
    %dot_general3A_57 = tpu.matmul %add3A_53, %get3A_56, %dot_general3A {dimension_numbers = #tpu.dot_dimension_numbers<[1], [0], [0], [1], [0, 0, 1, 1], [], []>, transpose_lhs_hint = false} : vector<2048x128xf32>, vector<128x768xf32>, vector<2048x768xf32> -> vector<2048x768xf32>
    %get3A_58 = arith.constant 0 : index
    %get3A_59 = arith.constant 0 : index
    %get3A_60 = vector.load %arg6[%get3A_58, %get3A_59] : memref<3x768xf32, #tpu.memory_space<vmem>>, vector<1x768xf32>
    %get3A_61 = vector.shape_cast %get3A_60 : vector<1x768xf32> to vector<768xf32>
    %broadcast_in_dim3A_62 = vector.shape_cast %get3A_61 : vector<768xf32> to vector<1x768xf32>
    %add3A_63 = vector.broadcast %broadcast_in_dim3A_62 : vector<1x768xf32> to vector<2048x768xf32>
    %add3A_64 = arith.addf %dot_general3A_57, %add3A_63 : vector<2048x768xf32>
    %reduce_sum3A = arith.constant dense<0.000000e+00> : vector<2048xf32>
    %reduce_sum3A_65 = vector.multi_reduction <add>, %add3A_64, %reduce_sum3A [1] : vector<2048x768xf32> to vector<2048xf32>
    %broadcast_in_dim3A_66 = vector.shape_cast %reduce_sum3A_65 : vector<2048xf32> to vector<2048x1xf32>
    %div3A = arith.constant 7.680000e+02 : f32
    %div3A_67 = vector.broadcast %div3A : f32 to vector<2048x1xf32>
    %div3A_68 = arith.divf %broadcast_in_dim3A_66, %div3A_67 : vector<2048x1xf32>
    %sub3A = vector.broadcast %div3A_68 : vector<2048x1xf32> to vector<2048x768xf32>
    %sub3A_69 = arith.subf %add3A_64, %sub3A : vector<2048x768xf32>
    %mul3A_70 = arith.mulf %sub3A_69, %sub3A_69 : vector<2048x768xf32>
    %reduce_sum3A_71 = arith.constant dense<0.000000e+00> : vector<2048xf32>
    %reduce_sum3A_72 = vector.multi_reduction <add>, %mul3A_70, %reduce_sum3A_71 [1] : vector<2048x768xf32> to vector<2048xf32>
    %broadcast_in_dim3A_73 = vector.shape_cast %reduce_sum3A_72 : vector<2048xf32> to vector<2048x1xf32>
    %div3A_74 = arith.constant 7.680000e+02 : f32
    %div3A_75 = vector.broadcast %div3A_74 : f32 to vector<2048x1xf32>
    %div3A_76 = arith.divf %broadcast_in_dim3A_73, %div3A_75 : vector<2048x1xf32>
    %add3A_77 = arith.constant 9.99999974E-6 : f32
    %add3A_78 = vector.broadcast %add3A_77 : f32 to vector<2048x1xf32>
    %add3A_79 = arith.addf %div3A_76, %add3A_78 : vector<2048x1xf32>
    %rsqrt3A = math.rsqrt %add3A_79 : vector<2048x1xf32>
    %mul3A_80 = vector.broadcast %rsqrt3A : vector<2048x1xf32> to vector<2048x768xf32>
    %mul3A_81 = arith.mulf %sub3A_69, %mul3A_80 : vector<2048x768xf32>
    %get3A_82 = arith.constant 1 : index
    %get3A_83 = arith.constant 0 : index
    %get3A_84 = vector.load %arg6[%get3A_82, %get3A_83] : memref<3x768xf32, #tpu.memory_space<vmem>>, vector<1x768xf32>
    %get3A_85 = vector.shape_cast %get3A_84 : vector<1x768xf32> to vector<768xf32>
    %broadcast_in_dim3A_86 = vector.shape_cast %get3A_85 : vector<768xf32> to vector<1x768xf32>
    %mul3A_87 = vector.broadcast %broadcast_in_dim3A_86 : vector<1x768xf32> to vector<2048x768xf32>
    %mul3A_88 = arith.mulf %mul3A_81, %mul3A_87 : vector<2048x768xf32>
    %get3A_89 = arith.constant 2 : index
    %get3A_90 = arith.constant 0 : index
    %get3A_91 = vector.load %arg6[%get3A_89, %get3A_90] : memref<3x768xf32, #tpu.memory_space<vmem>>, vector<1x768xf32>
    %get3A_92 = vector.shape_cast %get3A_91 : vector<1x768xf32> to vector<768xf32>
    %broadcast_in_dim3A_93 = vector.shape_cast %get3A_92 : vector<768xf32> to vector<1x768xf32>
    %add3A_94 = vector.broadcast %broadcast_in_dim3A_93 : vector<1x768xf32> to vector<2048x768xf32>
    %add3A_95 = arith.addf %mul3A_88, %add3A_94 : vector<2048x768xf32>
    %swap3A = arith.constant 0 : index
    %swap3A_96 = arith.constant 0 : index
    %swap3A_97 = vector.load %arg7[%swap3A, %swap3A_96] : memref<2048x768xf32, #tpu.memory_space<vmem>>, vector<2048x768xf32>
    tpu.vector_store %arg7[%swap3A, %swap3A_96], %add3A_95 {strides = array<i32>} : memref<2048x768xf32, #tpu.memory_space<vmem>>, vector<2048x768xf32>,
    return
  }
  func.func @transform_0(%arg0: i32) -> (i32, i32) {
    %c0_i32 = arith.constant 0 : i32
    %c0_i32_0 = arith.constant 0 : i32
    return %arg0, %c0_i32 : i32, i32
  }
  func.func @transform_1(%arg0: i32) -> (i32, i32) {
    %c0_i32 = arith.constant 0 : i32
    %c0_i32_0 = arith.constant 0 : i32
    %c0_i32_1 = arith.constant 0 : i32
    return %c0_i32, %c0_i32_0 : i32, i32
  }
  func.func @transform_2(%arg0: i32) -> (i32, i32) {
    %c0_i32 = arith.constant 0 : i32
    %c0_i32_0 = arith.constant 0 : i32
    return %arg0, %c0_i32 : i32, i32
  }
  func.func @transform_3(%arg0: i32) -> (i32, i32) {
    %c0_i32 = arith.constant 0 : i32
    %c0_i32_0 = arith.constant 0 : i32
    %c0_i32_1 = arith.constant 0 : i32
    return %c0_i32, %c0_i32_0 : i32, i32
  }
  func.func @transform_4(%arg0: i32) -> (i32, i32) {
    %c0_i32 = arith.constant 0 : i32
    %c0_i32_0 = arith.constant 0 : i32
    %c0_i32_1 = arith.constant 0 : i32
    return %c0_i32, %c0_i32_0 : i32, i32
  }
  func.func @transform_5(%arg0: i32) -> (i32, i32) {
    %c0_i32 = arith.constant 0 : i32
    %c0_i32_0 = arith.constant 0 : i32
    %c0_i32_1 = arith.constant 0 : i32
    return %c0_i32, %c0_i32_0 : i32, i32
  }
  func.func @transform_6(%arg0: i32) -> (i32, i32) {
    %c0_i32 = arith.constant 0 : i32
    %c0_i32_0 = arith.constant 0 : i32
    return %arg0, %c0_i32 : i32, i32
  }
}

</mosaic_0001>

<sc_bundles>
// kernel: kernel.4.cloned.1.call-start
scs
__scs_entry_jumppad:
0x0: {  	(pc) =	sbr.rel $0x88, $3  }
0x1: {  	(tag) =	ssettag $0x0;
	lr =	simm.s32 $0x1  }
0x2: {  	[smem:$0x3F99] =	sst lr;
	_ =	strace $0xD0000000  }
0x3: {  	_ = 	snop  }
0x4: {  	_ = 	snop  }
0x5: {  	_ = 	snop  }
0x6: {  	_ = 	snop  }
0x7: {  	_ = 	snop  }
__scs_overlays_trampoline_lowered:
0x8: {  	[smem:$0x3FA8] =	sst s0  }
0x9: {  	[smem:$0x3FA9] =	sst s1  }
0xa: {  	[smem:$0x3FAA] =	sst s2  }
0xb: {  	[smem:$0x3FAB] =	sst s3  }
0xc: {  	[smem:$0x3FAC] =	sst s4  }
0xd: {  	[smem:$0x3FAD] =	sst s5  }
0xe: {  	[smem:$0x3FAE] =	sst s6  }
0xf: {  	[smem:$0x3FAF] =	sst s7  }
0x10: {  	[smem:$0x3FB0] =	sst s8  }
0x11: {  	[smem:$0x3FB1] =	sst s9;
	s0 =	simm.s32 @!p0 $0x0  }
0x12: {  	s1 =	sld [smem:$0x3F97];
	s0 =	simm.s32 @p0 $0x1  }
0x13: {  	[smem:$0x3FB2] =	sst s0;
	s0 =	simm.s32 @!p1 $0x0  }
0x14: {  	s2 =	sld [smem:$0x3F96];
	s0 =	simm.s32 @p1 $0x1  }
0x15: {  	[smem:$0x3FB3] =	sst s0;
	s0 =	simm.s32 @!p2 $0x0  }
0x16: {  	s3 =	sld [smem:$0x3FDB];
	s0 =	simm.s32 @p2 $0x1  }
0x17: {  	s4 =	simm.s32 $0x1BF5;
	[smem:$0x3FB5] =	sst s0  }
0x18: {  	s0 =	sld [smem:$0x3F98];
	_ =	swait.ge [sflag:s4], $0x0  }
0x19: {  	s7 =	sld [smem:$0x3F99]  }
0x1a: {  	s8 =	sadd.s32 $0xFFFFE003, lr  }
0x1b: {  	s9 =	sadd.s32 $0xFFFFFEF7, lr;
	s5 =	simm.s32 $0xFFFFFFFF;
	p2 =	slt.u32 s8, $0xFFFFF086  }
0x1c: {  	p1 =	slt.u32 s9, $0xF7A;
	s5 =	simm.s32 @!p2 $0x0  }
0x1d: {  	s5 =	simm.s32 @p1 $0x1;
	p0 =	seq.s32 s7, s2  }
0x1e: {  	s7 =	smul.u32 @!p0 $0xF7A, s2;
	p2 =	seq.s32 @!p0 s5, $0x0  }
0x1f: {  	s9 =	smul.u32 $0xF7A, s1;
	s8 =	simm.s32 @!p0 $0x1BF5;
	p2 =	por !p2, p0  }
0x20: {  	[sflag:s8] =	ssyncset.s32 @!p0 $0xFFFFF086;
	s6 =	sadd.s32 @!p0 s3, s7;
	s7 =	simm.s32 @!p0 $0x108  }
0x21: {  	s3 =	sadd.s32 s3, s9;
	s6 =	sadd.s32 @!p0 $0x88, s6;
	s7 =	simm.s32 @p2 $0x1082  }
0x22: {  	[simem:s7], [sflag:s8] =	dma.local @!p0 [hbm:s6], $0xF7A  }
0x23: {  	s9 =	sor.u32 $0xD0000000, s2;
	s6 =	simm.s32 $0x108;
	_ =	swait.ge @!p0 [sflag:s8], $0x0  }
0x24: {  	s3 =	sadd.s32 $0x88, s3;
	s6 =	simm.s32 @!p1 $0x1082;
	[sflag:s4] =	ssyncset.s32 $0xFFFFF086  }
0x25: {  	[simem:s6], [sflag:s4] =	dma.local [hbm:s3], $0xF7A  }
0x26: {  	[smem:$0x3F99] =	sst s1;
	(tag) =	ssettag s2;
	_ =	strace s9  }
0x27: {  	s1 =	sld [smem:$0x3FA9]  }
0x28: {  	s2 =	sld [smem:$0x3FAA]  }
0x29: {  	s4 =	sld [smem:$0x3FAC]  }
0x2a: {  	p0 =	seq.s32 s5, $0x0;
	s5 =	sld [smem:$0x3FAD]  }
0x2b: {  	s6 =	sld [smem:$0x3FAE]  }
0x2c: {  	s7 =	sld [smem:$0x3FAF]  }
0x2d: {  	s3 =	simm.s32 $0x108;
	s8 =	sld [smem:$0x3FB0]  }
0x2e: {  	s3 =	simm.s32 @!p0 $0x1082;
	s9 =	sld [smem:$0x3FB1]  }
0x2f: {  	lr =	sadd.s32 s0, s3;
	s0 =	sld [smem:$0x3FA8]  }
0x30: {  	s3 =	sld [smem:$0x3FAB]  }
0x31: {  	[smem:$0x3FB4] =	sst s10  }
0x32: {  	s10 =	sld [smem:$0x3FB2];
	_ =	sdelay $0x3  }
0x33: {  	p0 =	seq.s32 s10, $0x1;
	s10 =	sld [smem:$0x3FB4];
	_ =	sdelay $0x3  }
0x34: {  	[smem:$0x3FB4] =	sst s10  }
0x35: {  	s10 =	sld [smem:$0x3FB3];
	_ =	sdelay $0x3  }
0x36: {  	p1 =	seq.s32 s10, $0x1;
	s10 =	sld [smem:$0x3FB4];
	_ =	sdelay $0x3  }
0x37: {  	[smem:$0x3FB4] =	sst s10  }
0x38: {  	s10 =	sld [smem:$0x3FB5]  }
0x39: {  	_ = 	snop;
	(pc) =	sbr.ind lr, $3  }
0x3a: {  	_ = 	snop  }
0x3b: {  	_ = 	snop  }
0x3c: {  	p2 =	seq.s32 s10, $0x1;
	s10 =	sld [smem:$0x3FB4]  }
0x3d: {  	_ =	shalt  }
0x3e: {  	_ =	shalt  }
0x3f: {  	_ =	shalt  }
0x40: {  	_ =	shalt  }
0x41: {  	_ =	shalt  }
0x42: {  	_ =	shalt  }
0x43: {  	_ =	shalt  }
0x44: {  	_ =	shalt  }
0x45: {  	_ =	shalt  }
0x46: {  	_ =	shalt  }
0x47: {  	_ =	shalt  }
0x48: {  	_ =	shalt  }
0x49: {  	_ =	shalt  }
0x4a: {  	_ =	shalt  }
0x4b: {  	_ =	shalt  }
0x4c: {  	_ =	shalt  }
0x4d: {  	_ =	shalt  }
0x4e: {  	_ =	shalt  }
0x4f: {  	_ =	shalt  }
0x50: {  	_ =	shalt  }
0x51: {  	_ =	shalt  }
0x52: {  	_ =	shalt  }
0x53: {  	_ =	shalt  }
0x54: {  	_ =	shalt  }
0x55: {  	_ =	shalt  }
0x56: {  	_ =	shalt  }
0x57: {  	_ =	shalt  }
0x58: {  	_ =	shalt  }
0x59: {  	_ =	shalt  }
0x5a: {  	_ =	shalt  }
0x5b: {  	_ =	shalt  }
0x5c: {  	_ =	shalt  }
0x5d: {  	_ =	shalt  }
0x5e: {  	_ =	shalt  }
0x5f: {  	_ =	shalt  }
0x60: {  	_ =	shalt  }
0x61: {  	_ =	shalt  }
0x62: {  	_ =	shalt  }
0x63: {  	_ =	shalt  }
0x64: {  	_ =	shalt  }
0x65: {  	_ =	shalt  }
0x66: {  	_ =	shalt  }
0x67: {  	_ =	shalt  }
0x68: {  	_ =	shalt  }
0x69: {  	_ =	shalt  }
0x6a: {  	_ =	shalt  }
0x6b: {  	_ =	shalt  }
0x6c: {  	_ =	shalt  }
0x6d: {  	_ =	shalt  }
0x6e: {  	_ =	shalt  }
0x6f: {  	_ =	shalt  }
0x70: {  	_ =	shalt  }
0x71: {  	_ =	shalt  }
0x72: {  	_ =	shalt  }
0x73: {  	_ =	shalt  }
0x74: {  	_ =	shalt  }
0x75: {  	_ =	shalt  }
0x76: {  	_ =	shalt  }
0x77: {  	_ =	shalt  }
0x78: {  	_ =	shalt  }
0x79: {  	_ =	shalt  }
0x7a: {  	_ =	shalt  }
0x7b: {  	_ =	shalt  }
0x7c: {  	_ =	shalt  }
0x7d: {  	_ =	shalt  }
0x7e: {  	_ =	shalt  }
0x7f: {  	_ =	shalt  }
0x80: {  	_ =	shalt  }
0x81: {  	_ =	shalt  }
0x82: {  	_ =	shalt  }
0x83: {  	_ =	shalt  }
0x84: {  	_ =	shalt  }
0x85: {  	_ =	shalt  }
0x86: {  	_ =	shalt  }
0x87: {  	_ =	shalt  }
.Lfunc_end0:
.L_simem_size_0:
called_computation_lowered:
.L_overlay_start_0:
0x88: {  	s2 =	sld [smem:$0x3FD9]  }
0x89: {  	s3 =	sld [smem:$0x3FFE];
	_ =	sdelay $0x1  }
0x8a: {  	s1 =	srdreg.scid  }
0x8b: {  	s0 =	sand.u32 $0x1, s1  }
0x8c: {  	s17 =	sshll.u32 s0, $0xA;
	s2 =	sadd.s32 s3, s2  }
0x8d: {  	s2 =	sadd.s32 s2, s17  }
0x8e: {  	[smem:$0x3FC0] =	sst s2  }
0x8f: {  	_ = 	snop  }
0x90: {  	s2 =	sld [smem:$0x3FC7]  }
0x91: {  	s18 =	sld [smem:$0x3FD0];
	(tm) =	ssettm $0x1  }
0x92: {  	s4 =	sld [smem:$0x3FFB];
	_ =	sdelay $0x3  }
0x93: {  	_ =	strace s4  }
0x94: {  	s4 =	sld [smem:$0x3FFC];
	_ =	sdelay $0x3  }
0x95: {  	_ =	strace s4  }
0x96: {  	s4 =	sld [smem:$0x3FFD];
	_ =	sdelay $0x3  }
0x97: {  	_ =	strace s4  }
0x98: {  	_ =	strace $0x8FFFFFFF  }
0x99: {  	s19 =	sld [smem:$0x3FDB];
	_ =	sdelay $0x1  }
0x9a: {  	s5 =	simm.s32 $_scs_section_size  }
0x9b: {  	s6 =	simm.s32 $_size__tile_overlayer_lowered;
	s7 =	simm.s32 $_tile_overlayer_lowered  }
0x9c: {  	s22 =	simm.s32 $0x1BFF;
	s21 =	sshll.u32 s7, $0x1;
	s4 =	sadd.s32 s5, s19  }
0x9d: {  	s8 =	simm.s32 $0x0;
	s20 =	sshll.u32 s6, $0x1;
	s6 =	sadd.s32 s21, s4  }
0x9e: {  	[timem:s8], [sflag:s22] =	dma.local [hbm:s6], s20  }
0x9f: {  	_ =	swait.ge [sflag:s22], s20  }
0xa0: {  	s5 =	ssub.s32 $0x0, s20;
	[sflag:s22] =	ssyncset.done $0x0  }
0xa1: {  	[sflag:s22] =	ssyncadd.s32 s5;
	_ =	sdelay $0x1  }
0xa2: {  	s23 =	simm.s32 $0x1B8B  }
0xa3: {  	_ =	swait.ge [sflag:s23], $0x1  }
0xa4: {  	[sflag:s23] =	ssyncset.done $0x0  }
0xa5: {  	s25 =	simm.s32 $0x1B8E;
	s24 =	sld [smem:$0x3FFE];
	[sflag:s23] =	ssyncadd.s32 $0xFFFFFFFF  }
0xa6: {  	s26 =	simm.s32 $execute0_lowered;
	[smem:$0x3FD2] =	sst s25  }
0xa7: {  	s6 =	sshll.u32 s26, $0x1;
	_ =	strace $0x80000046;
	[dreg:$0x1] =	wrdreg $0xFFFFFFFF  }
0xa8: {  	s28 =	simm.s32 $_size_execute0_lowered;
	s4 =	sadd.s32 s4, s6;
	[dreg:$0x0] =	wrdreg $0x0  }
0xa9: {  	s6 =	sshll.u32 s28, $0x1;
	[dreg:$0x2] =	wrdreg s4  }
0xaa: {  	[dreg:$0x3] =	wrdreg s6  }
0xab: {  	[dreg:$0x4] =	wrdreg $0xC0  }
0xac: {  	_ =	task [dreg:s8], $0x5FFFF  }
0xad: {  	[dreg:$0x1] =	wrdreg $0xFFFFFFFF  }
0xae: {  	[dreg:$0x0] =	wrdreg $0x60  }
0xaf: {  	[dreg:$0x2] =	wrdreg s2  }
0xb0: {  	[dreg:$0x3] =	wrdreg s24  }
0xb1: {  	[dreg:$0x4] =	wrdreg s18  }
0xb2: {  	[dreg:$0x5] =	wrdreg $0x9  }
0xb3: {  	_ =	task.clear_ibuf [dreg:s8], $0x6FFFF;
	_ =	strace $0x90000046  }
0xb4: {  	s29 =	simm.s32 $0x9;
	_ =	strace $0x80000048  }
0xb5: {  	_ =	swait.ge [sflag:s29], $0x1  }
0xb6: {  	[sflag:s29] =	ssyncadd.s32 $0xFFFFFFFF  }
0xb7: {  	_ =	strace $0x90000048  }
0xb8: {  	_ =	sfence  }
0xb9: {  	s30 =	sld [smem:$0x0];
	_ =	sdelay $0x2  }
0xba: {  	s31 =	sshll.u32 s1, $0xD;
	s1 =	sshrl.u32 s1, $0x2  }
0xbb: {  	s3 =	sand.u32 $0x4000, s31;
	s1 =	sadd.s32 s1, s30  }
0xbc: {  	s0 =	sor.u32 s3, s0;
	s1 =	sshll.u32 s1, $0x11  }
0xbd: {  	s0 =	sor.u32 s1, s0  }
0xbe: {  	s0 =	sadd.s32 $0x8F2B, s0  }
0xbf: {  	[sflag:s0] =	ssyncadd.remote.s32 $0x1  }
0xc0: {  	_ =	sfence.sel $0xFFFF  }
0xc1: {  	[dreg:$0x0] =	wrdreg $0xFFFFFFFF;
	(pc) =	sbr.abs _section_cstart, $3  }
0xc2: {  	[dreg:$0x1] =	wrdreg $0xFFFFFFFF  }
0xc3: {  	_ =	task.clear_ibuf [dreg:s8], $0x2FFFF;
	_ =	strace $0x9FFFFFFF  }
0xc4: {  	(tm) =	ssettm $0x7FFFFFFF  }
0xc5: {  	_ =	shalt  }
tec
execute0_lowered:
.L_overlay_start_1:
0x0: {  	(tag) =	ssettag $0x1  }
0x1: {  	s1 =	rddreg [dreg:$0x0]  }
0x2: {  	s2 =	srdreg.scid;
	s0 =	stileid.u32  }
0x3: {  	s4 =	rddreg [dreg:$0x1];
	s10 =	sand.u32 $0x1, s2;
	s29 =	sshll.u32 s0, $0x1  }
0x4: {  	s11 =	rddreg [dreg:$0x2];
	s12 =	sor.u32 s10, s29  }
0x5: {  	s3 =	simm.s32 $0x0;
	s2 =	rddreg [dreg:$0x3];
	s5 =	sshll.u32 s12, $0x5  }
0x6: {  	[smem:$0x7FF] =	sst s3;
	s4 =	sadd.s32 s5, s4  }
0x7: {  	_ =	strace $0x80000047;
	s5 =	sadd.s32 $0x1400, s4;
	s4 =	simm.s32 $0x2  }
0x8: {  	[tilespmem:s3], [sflag:$0x2] =	stream.linear.gather [hbm4b:s5+s3], $0x100, $0x38;
	[tilespmem:$0x8100] =	vst v63  }
0x9: {  	_ =	swait.ge [sflag:s4], $0x100  }
0xa: {  	[sflag:s4] =	ssyncset.done $0x0  }
0xb: {  	s6 =	simm.s32 $0x80;
	s7 =	simm.s32 $0x100;
	[sflag:s4] =	ssyncadd.s32 $0xFFFFFF00  }
0xc: {  	[tilespmem:s7], [sflag:$0x1] =	stream.indirect.gather [hbm4b:s1+s6], $0x80, s3, s6, $0xb8;
	[tilespmem:$0x8100] =	vst v63  }
0xd: {  	s8 =	simm.s32 $0x4100;
	s9 =	simm.s32 $0x1;
	s10 =	ssub.s32 $0x2, s10  }
0xe: {  	[tilespmem:s8], [sflag:$0x1] =	stream.indirect.gather [hbm4b:s1+s6], $0x80, s6, s6, $0xb8;
	[tilespmem:$0x8100] =	vst v63  }
0xf: {  	s13 =	sshrl.u32 s10, $0x1;
	_ =	swait.ge [sflag:s9], $0x4000  }
0x10: {  	s13 =	ssub.s32 s10, s13;
	[sflag:s9] =	ssyncset.done $0x0  }
0x11: {  	s31 =	smax.u32 s13, $0x1;
	[sflag:s9] =	ssyncadd.s32 $0xFFFFC000  }
0x12: {  	p0 =	sne.s32 s31, $0x1;
	_ =	swait.ge [sflag:s9], $0x4000  }
.Ltmp0:
0x13: {  	s30 =	sshll.u32 s12, $0xC;
	[sflag:s9] =	ssyncset.done $0x0;
	(pc) =	sbr.rel @!p0 .LBB2_2-.Ltmp0, $4  }
0x14: {  	s10 =	sadd.s32 s11, s30;
	[sflag:s9] =	ssyncadd.s32 $0xFFFFC000  }
0x15: {  	[hbm4b:s10+s3] =	stream.linear.scatter [tilespmem:s7], [sflag:$0x2], $0x8000, $0x38;
	[tilespmem:$0x8100] =	vst v63  }
0x16: {  	_ =	swait.ge [sflag:s4], $0x8000  }
0x17: {  	s11 =	sadd.s32 $0xFFFFFFFF, s31;
	[sflag:s4] =	ssyncset.done $0x0  }
.LBB2_1:
0x18: {  	p0 =	sne.s32 s11, $0x1;
	s11 =	sadd.s32 $0xFFFFFFFF, s11;
	[sflag:s4] =	ssyncadd.s32 $0xFFFF8000  }
0x19: {  	[tilespmem:s3], [sflag:$0x2] =	stream.linear.gather [hbm4b:s5+s3], $0x100, $0x38;
	[tilespmem:$0x8100] =	vst v63  }
0x1a: {  	_ =	swait.ge [sflag:s4], $0x100  }
0x1b: {  	[sflag:s4] =	ssyncset.done $0x0  }
0x1c: {  	[sflag:s4] =	ssyncadd.s32 $0xFFFFFF00  }
0x1d: {  	[tilespmem:s7], [sflag:$0x1] =	stream.indirect.gather [hbm4b:s1+s6], $0x80, s3, s6, $0xb8;
	[tilespmem:$0x8100] =	vst v63  }
0x1e: {  	_ = 	snop  }
0x1f: {  	[tilespmem:s8], [sflag:$0x1] =	stream.indirect.gather [hbm4b:s1+s6], $0x80, s6, s6, $0xb8;
	[tilespmem:$0x8100] =	vst v63  }
0x20: {  	_ =	swait.ge [sflag:s9], $0x4000  }
0x21: {  	[sflag:s9] =	ssyncset.done $0x0  }
0x22: {  	[sflag:s9] =	ssyncadd.s32 $0xFFFFC000  }
0x23: {  	_ =	swait.ge [sflag:s9], $0x4000  }
.Ltmp1:
0x24: {  	[sflag:s9] =	ssyncset.done $0x0;
	(pc) =	sbr.rel @p0 .LBB2_1-.Ltmp1, $4  }
0x25: {  	[sflag:s9] =	ssyncadd.s32 $0xFFFFC000  }
0x26: {  	[hbm4b:s10+s3] =	stream.linear.scatter [tilespmem:s7], [sflag:$0x2], $0x8000, $0x38;
	[tilespmem:$0x8100] =	vst v63  }
0x27: {  	_ =	swait.ge [sflag:s4], $0x8000  }
0x28: {  	[sflag:s4] =	ssyncset.done $0x0  }
.LBB2_2:
0x29: {  	[sflag:s4] =	ssyncadd.s32 $0xFFFF8000  }
0x2a: {  	_ =	sfence.sel $0x180000  }
0x2b: {  	[bflag:$0x0] =	sbarrier.arrive $0xFFFF  }
0x2c: {  	p0 =	sne.s32 s0, $0x0;
	_ =	strace $0x90000047  }
0x2d: {  	s0 =	sadd.s32 @!p0 $0x100000, s2;
	[bflag:$0x2] =	sbarrier.arrive $0xFFFF  }
0x2e: {  	[sflag:s0] =	ssyncadd.tile.s32 @!p0 $0x1;
	_ =	shalt  }
.Lfunc_end2:
_tile_overlayer_lowered:
.L_overlay_start_2:
0x2f: {  	(tag) =	ssettag $0x2  }
0x30: {  	s0 =	rddreg [dreg:$0x0];
	s2 =	stileid.u32  }
0x31: {  	s1 =	rddreg [dreg:$0x1];
	p0 =	sne.s32 s2, $0x0  }
0x32: {  	s3 =	rddreg [dreg:$0x2];
	[bflag:$0x3] =	sbarrier.arrive $0xFFFF;
	s2 =	simm.s32 @!p0 $0x1C02  }
0x33: {  	[timem:s3], [sflag:s2] =	dma.local @!p0 [hbm:s0], s1  }
0x34: {  	s0 =	simm.s32 @!p0 $0x2  }
0x35: {  	_ =	swait.ge @!p0 [sflag:s0], s1  }
0x36: {  	s1 =	ssub.s32 @!p0 $0x0, s1;
	[sflag:s0] =	ssyncset.done @!p0 $0x0  }
0x37: {  	[sflag:s0] =	ssyncadd.s32 @!p0 s1  }
0x38: {  	[bflag:$0x3] =	sbarrier.arrive $0xFFFF  }
0x39: {  	_ =	shalt  }

</sc_bundles>
